<compile_context>
chip_gen: v7x
topology: tpu7x:2x2x1
jax: 0.10.2.dev20260603
libtpu: 0.0.44.dev20260713+nightly
codegen_flags: <defaults>
</compile_context>

<pallas_src>
import functools

import jax
import jax.numpy as jnp
from jax import lax
from jax.experimental import pallas as pl
from jax.experimental.pallas import tpu as pltpu
from jax.experimental.pallas import tpu_sc as plsc

D_MODEL = 1024
BATCH = 16384
S_TC = 12288
BS_TC = 2048


@functools.partial(jax.jit, static_argnames=())
def _sc_embed(table, idx):
    info = plsc.get_sparse_core_info()
    nc, ns = info.num_cores, info.num_subcores
    nw = nc * ns
    b_per_w = (BATCH - S_TC) // nw
    ch = 48
    nbuf = 2
    n_chunks = -(-b_per_w // ch)
    sizes = [min(ch, b_per_w - g * ch) for g in range(n_chunks)]

    mesh = plsc.VectorSubcoreMesh(core_axis_name="c", subcore_axis_name="s")

    @functools.partial(
        pl.kernel,
        mesh=mesh,
        out_type=jax.ShapeDtypeStruct((BATCH, 1, D_MODEL), jnp.float32),
        scratch_types=[
            pltpu.VMEM((b_per_w,), jnp.int32),
            pltpu.VMEM((nbuf, ch, 1, D_MODEL), jnp.float32),
            pltpu.SemaphoreType.DMA,
            pltpu.SemaphoreType.DMA,
        ],
    )
    def k(table_hbm, idx_hbm, out_hbm, idx_v, rows_v, gsem, ssem):
        wid = lax.axis_index("s") * nc + lax.axis_index("c")
        base = S_TC + wid * b_per_w
        pltpu.sync_copy(idx_hbm.at[pl.ds(base, b_per_w)], idx_v)
        off = jnp.broadcast_to((wid * 16).astype(jnp.int32), (16,))
        for j in range(b_per_w // 16):
            sl = pl.ds(j * 16, 16)
            idx_v[sl] = idx_v[sl] + off

        def start_gather(g):
            return pltpu.async_copy(
                table_hbm.at[idx_v.at[pl.ds(g * ch, sizes[g])]],
                rows_v.at[g % nbuf].at[pl.ds(0, sizes[g])], gsem)

        ga = [None] * n_chunks
        sc = [None] * n_chunks
        for g in range(min(nbuf - 1, n_chunks)):
            ga[g] = start_gather(g)
        for g in range(n_chunks):
            nxt = g + nbuf - 1
            if nxt < n_chunks:
                if g >= 1:
                    sc[g - 1].wait()
                ga[nxt] = start_gather(nxt)
            ga[g].wait()
            sc[g] = pltpu.async_copy(
                rows_v.at[g % nbuf].at[pl.ds(0, sizes[g])],
                out_hbm.at[pl.ds(base + g * ch, sizes[g])], ssem)
        for g in range(max(0, n_chunks - nbuf), n_chunks):
            sc[g].wait()

    return k(table, idx)


def _tc_replicate(table):
    def body(tab_ref, out_ref):
        for r in range(32):
            out_ref[pl.ds(r * 16, 13), 0, :] = tab_ref[...]

    return pl.pallas_call(
        body,
        out_shape=jax.ShapeDtypeStruct((512, 1, D_MODEL), jnp.float32),
    )(table)


def _tc_fill(wk3, table, buf):
    def body(wk_ref, tab_ref, alias_ref, out_ref):
        del alias_ref
        wk = wk_ref[0, 0, :]
        oh = (wk[:, None] == lax.broadcasted_iota(jnp.int32, (BS_TC, 13), 1))
        out_ref[:, 0, :] = jax.lax.dot_general(
            oh.astype(jnp.float32), tab_ref[...],
            dimension_numbers=(((1,), (0,)), ((), ())),
            preferred_element_type=jnp.float32)

    return pl.pallas_call(
        body,
        grid=(S_TC // BS_TC,),
        in_specs=[
            pl.BlockSpec((1, 1, BS_TC), lambda i: (i, 0, 0)),
            pl.BlockSpec((13, D_MODEL), lambda i: (0, 0)),
            pl.BlockSpec(memory_space=pl.ANY),
        ],
        out_specs=pl.BlockSpec((BS_TC, 1, D_MODEL), lambda i: (i, 0, 0)),
        out_shape=jax.ShapeDtypeStruct((BATCH, 1, D_MODEL), jnp.float32),
        input_output_aliases={2: 0},
    )(wk3, table, buf)


def kernel(weeks, table):
    wk = weeks.astype(jnp.int32)
    rep = _tc_replicate(table)
    buf = _sc_embed(rep, wk)
    wk3 = wk[:S_TC].reshape(S_TC // BS_TC, 1, BS_TC)
    return _tc_fill(wk3, table, buf)

# --- scband reference (transcript-rebuilt; emitter-appended) ---
"""Pipeline reference for scband-discrete-temporal-embedding-10333691314237 (READ-ONLY COPY).

The authoritative reference and input builder live on the scoring server;
editing this copy changes nothing except your own understanding.
"""

import jax, jax.numpy as jnp
import numpy as np

D_MODEL = 1024
MAX_WEEKS = 12
BATCH = 16384


def setup_inputs(seed: int = 0) -> dict:
    key = jax.random.key(seed)
    k_idx, k_tab = jax.random.split(key)
    weeks = jax.random.randint(k_idx, (BATCH,), 0, MAX_WEEKS + 1, dtype=jnp.int64 if jax.config.read('jax_enable_x64') else jnp.int32)
    table = jax.random.normal(k_tab, (MAX_WEEKS + 1, D_MODEL), dtype=jnp.float32) * 0.02
    return {"weeks": weeks, "table": table}


def reference(weeks, table):
    # nn.Embedding lookup followed by unsqueeze(1): (B,) -> (B, 1, d_model)
    emb = jnp.take(table, weeks, axis=0)
    return emb[:, None, :]

if __name__ == "__main__":
    import jax
    _d = setup_inputs()
    print(jax.jit(kernel)(*tuple(_d.values())))

</pallas_src>

<mosaic_0001>
#map = affine_map<(d0, d1) -> (0, 0, 0)>
#map1 = affine_map<(d0, d1) -> (0)>
module attributes {stable_mosaic.version = 14 : i64} {
  func.func @k(%arg0: i32, %arg1: i32, %arg2: memref<512x1x1024xf32, #tpu.memory_space<hbm>>, %arg3: memref<16384xi32, #tpu.memory_space<hbm>>, %arg4: memref<16384x1x1024xf32, #tpu.memory_space<hbm>>, %arg5: memref<128xi32, #tpu.memory_space<vmem>>, %arg6: memref<2x48x1x1024xf32, #tpu.memory_space<vmem>>, %arg7: memref<!tpu.dma_semaphore, #tpu.memory_space<semaphore_mem>>, %arg8: memref<!tpu.dma_semaphore, #tpu.memory_space<semaphore_mem>>) attributes {dimension_semantics = [#tpu.dimension_semantics<core_parallel>, #tpu.dimension_semantics<subcore_parallel>], iteration_bounds = array<i64: 2, 16>, scalar_prefetch = 0 : i64, scratch_operands = 4 : i64, tpu.core_type = #tpu.core_type<sc_vector_subcore>, window_params = [{transform_indices = #map}, {transform_indices = #map1}, {transform_indices = #map}]} {
    %mul3A = arith.constant 2 : i32
    %mul3A_0 = arith.muli %arg1, %mul3A : i32
    %add3A = arith.addi %mul3A_0, %arg0 : i32
    %mul3A_1 = arith.constant 128 : i32
    %mul3A_2 = arith.muli %add3A, %mul3A_1 : i32
    %add3A_3 = arith.constant 12288 : i32
    %add3A_4 = arith.addi %add3A_3, %mul3A_2 : i32
    "tpu.region"() ({
      %run_scoped3A = tpu.sem_alloc : memref<!tpu.dma_semaphore, #tpu.memory_space<semaphore_mem>>
      %dma_start3A_319 = tpu.memref_slice %arg3[%add3A_4] : memref<16384xi32, #tpu.memory_space<hbm>> -> memref<128xi32, #tpu.memory_space<hbm>>
      %dma_start3A_320 = tpu.memref_slice %arg3[%add3A_4] : memref<16384xi32, #tpu.memory_space<hbm>> -> memref<128xi32, #tpu.memory_space<hbm>>
      tpu.enqueue_dma source(%dma_start3A_320 : memref<128xi32, #tpu.memory_space<hbm>>) target(%arg5 : memref<128xi32, #tpu.memory_space<vmem>>) target_semaphore(%run_scoped3A : memref<!tpu.dma_semaphore, #tpu.memory_space<semaphore_mem>>)
      %dma_wait3A_321 = tpu.memref_slice %arg3[%add3A_4] : memref<16384xi32, #tpu.memory_space<hbm>> -> memref<128xi32, #tpu.memory_space<hbm>>
      %dma_wait3A_322 = tpu.memref_slice %arg3[%add3A_4] : memref<16384xi32, #tpu.memory_space<hbm>> -> memref<128xi32, #tpu.memory_space<hbm>>
      tpu.wait_dma2 semaphore(%run_scoped3A : memref<!tpu.dma_semaphore, #tpu.memory_space<semaphore_mem>>) src(%dma_wait3A_322 : memref<128xi32, #tpu.memory_space<hbm>>) dst(%arg5 : memref<128xi32, #tpu.memory_space<vmem>>)
      tpu.yield
    }) : () -> ()
    %mul3A_5 = arith.constant 16 : i32
    %mul3A_6 = arith.muli %add3A, %mul3A_5 : i32
    %broadcast_in_dim3A = vector.broadcast %mul3A_6 : i32 to vector<16xi32>
    %get3A = arith.constant 0 : index
    %get3A_7 = tpu.vector_load %arg5[%get3A] {strides = array<i32>} : memref<128xi32, #tpu.memory_space<vmem>>, vector<16xi32>,
    %get3A_8 = vector.shape_cast %get3A_7 : vector<16xi32> to vector<16xi32>
    %add3A_9 = arith.addi %get3A_8, %broadcast_in_dim3A : vector<16xi32>
    %swap3A = arith.constant 0 : index
    %swap3A_10 = tpu.vector_load %arg5[%swap3A] {strides = array<i32>} : memref<128xi32, #tpu.memory_space<vmem>>, vector<16xi32>,
    %swap3A_11 = vector.shape_cast %swap3A_10 : vector<16xi32> to vector<16xi32>
    %swap3A_12 = vector.shape_cast %add3A_9 : vector<16xi32> to vector<16xi32>
    tpu.vector_store %arg5[%swap3A], %swap3A_12 {strides = array<i32>} : memref<128xi32, #tpu.memory_space<vmem>>, vector<16xi32>,
    %get3A_13 = arith.constant 16 : index
    %get3A_14 = tpu.vector_load %arg5[%get3A_13] {strides = array<i32>} : memref<128xi32, #tpu.memory_space<vmem>>, vector<16xi32>,
    %get3A_15 = vector.shape_cast %get3A_14 : vector<16xi32> to vector<16xi32>
    %add3A_16 = arith.addi %get3A_15, %broadcast_in_dim3A : vector<16xi32>
    %swap3A_17 = arith.constant 16 : index
    %swap3A_18 = tpu.vector_load %arg5[%swap3A_17] {strides = array<i32>} : memref<128xi32, #tpu.memory_space<vmem>>, vector<16xi32>,
    %swap3A_19 = vector.shape_cast %swap3A_18 : vector<16xi32> to vector<16xi32>
    %swap3A_20 = vector.shape_cast %add3A_16 : vector<16xi32> to vector<16xi32>
    tpu.vector_store %arg5[%swap3A_17], %swap3A_20 {strides = array<i32>} : memref<128xi32, #tpu.memory_space<vmem>>, vector<16xi32>,
    %get3A_21 = arith.constant 32 : index
    %get3A_22 = tpu.vector_load %arg5[%get3A_21] {strides = array<i32>} : memref<128xi32, #tpu.memory_space<vmem>>, vector<16xi32>,
    %get3A_23 = vector.shape_cast %get3A_22 : vector<16xi32> to vector<16xi32>
    %add3A_24 = arith.addi %get3A_23, %broadcast_in_dim3A : vector<16xi32>
    %swap3A_25 = arith.constant 32 : index
    %swap3A_26 = tpu.vector_load %arg5[%swap3A_25] {strides = array<i32>} : memref<128xi32, #tpu.memory_space<vmem>>, vector<16xi32>,
    %swap3A_27 = vector.shape_cast %swap3A_26 : vector<16xi32> to vector<16xi32>
    %swap3A_28 = vector.shape_cast %add3A_24 : vector<16xi32> to vector<16xi32>
    tpu.vector_store %arg5[%swap3A_25], %swap3A_28 {strides = array<i32>} : memref<128xi32, #tpu.memory_space<vmem>>, vector<16xi32>,
    %get3A_29 = arith.constant 48 : index
    %get3A_30 = tpu.vector_load %arg5[%get3A_29] {strides = array<i32>} : memref<128xi32, #tpu.memory_space<vmem>>, vector<16xi32>,
    %get3A_31 = vector.shape_cast %get3A_30 : vector<16xi32> to vector<16xi32>
    %add3A_32 = arith.addi %get3A_31, %broadcast_in_dim3A : vector<16xi32>
    %swap3A_33 = arith.constant 48 : index
    %swap3A_34 = tpu.vector_load %arg5[%swap3A_33] {strides = array<i32>} : memref<128xi32, #tpu.memory_space<vmem>>, vector<16xi32>,
    %swap3A_35 = vector.shape_cast %swap3A_34 : vector<16xi32> to vector<16xi32>
    %swap3A_36 = vector.shape_cast %add3A_32 : vector<16xi32> to vector<16xi32>
    tpu.vector_store %arg5[%swap3A_33], %swap3A_36 {strides = array<i32>} : memref<128xi32, #tpu.memory_space<vmem>>, vector<16xi32>,
    %get3A_37 = arith.constant 64 : index
    %get3A_38 = tpu.vector_load %arg5[%get3A_37] {strides = array<i32>} : memref<128xi32, #tpu.memory_space<vmem>>, vector<16xi32>,
    %get3A_39 = vector.shape_cast %get3A_38 : vector<16xi32> to vector<16xi32>
    %add3A_40 = arith.addi %get3A_39, %broadcast_in_dim3A : vector<16xi32>
    %swap3A_41 = arith.constant 64 : index
    %swap3A_42 = tpu.vector_load %arg5[%swap3A_41] {strides = array<i32>} : memref<128xi32, #tpu.memory_space<vmem>>, vector<16xi32>,
    %swap3A_43 = vector.shape_cast %swap3A_42 : vector<16xi32> to vector<16xi32>
    %swap3A_44 = vector.shape_cast %add3A_40 : vector<16xi32> to vector<16xi32>
    tpu.vector_store %arg5[%swap3A_41], %swap3A_44 {strides = array<i32>} : memref<128xi32, #tpu.memory_space<vmem>>, vector<16xi32>,
    %get3A_45 = arith.constant 80 : index
    %get3A_46 = tpu.vector_load %arg5[%get3A_45] {strides = array<i32>} : memref<128xi32, #tpu.memory_space<vmem>>, vector<16xi32>,
    %get3A_47 = vector.shape_cast %get3A_46 : vector<16xi32> to vector<16xi32>
    %add3A_48 = arith.addi %get3A_47, %broadcast_in_dim3A : vector<16xi32>
    %swap3A_49 = arith.constant 80 : index
    %swap3A_50 = tpu.vector_load %arg5[%swap3A_49] {strides = array<i32>} : memref<128xi32, #tpu.memory_space<vmem>>, vector<16xi32>,
    %swap3A_51 = vector.shape_cast %swap3A_50 : vector<16xi32> to vector<16xi32>
    %swap3A_52 = vector.shape_cast %add3A_48 : vector<16xi32> to vector<16xi32>
    tpu.vector_store %arg5[%swap3A_49], %swap3A_52 {strides = array<i32>} : memref<128xi32, #tpu.memory_space<vmem>>, vector<16xi32>,
    %get3A_53 = arith.constant 96 : index
    %get3A_54 = tpu.vector_load %arg5[%get3A_53] {strides = array<i32>} : memref<128xi32, #tpu.memory_space<vmem>>, vector<16xi32>,
    %get3A_55 = vector.shape_cast %get3A_54 : vector<16xi32> to vector<16xi32>
    %add3A_56 = arith.addi %get3A_55, %broadcast_in_dim3A : vector<16xi32>
    %swap3A_57 = arith.constant 96 : index
    %swap3A_58 = tpu.vector_load %arg5[%swap3A_57] {strides = array<i32>} : memref<128xi32, #tpu.memory_space<vmem>>, vector<16xi32>,
    %swap3A_59 = vector.shape_cast %swap3A_58 : vector<16xi32> to vector<16xi32>
    %swap3A_60 = vector.shape_cast %add3A_56 : vector<16xi32> to vector<16xi32>
    tpu.vector_store %arg5[%swap3A_57], %swap3A_60 {strides = array<i32>} : memref<128xi32, #tpu.memory_space<vmem>>, vector<16xi32>,
    %get3A_61 = arith.constant 112 : index
    %get3A_62 = tpu.vector_load %arg5[%get3A_61] {strides = array<i32>} : memref<128xi32, #tpu.memory_space<vmem>>, vector<16xi32>,
    %get3A_63 = vector.shape_cast %get3A_62 : vector<16xi32> to vector<16xi32>
    %add3A_64 = arith.addi %get3A_63, %broadcast_in_dim3A : vector<16xi32>
    %swap3A_65 = arith.constant 112 : index
    %swap3A_66 = tpu.vector_load %arg5[%swap3A_65] {strides = array<i32>} : memref<128xi32, #tpu.memory_space<vmem>>, vector<16xi32>,
    %swap3A_67 = vector.shape_cast %swap3A_66 : vector<16xi32> to vector<16xi32>
    %swap3A_68 = vector.shape_cast %add3A_64 : vector<16xi32> to vector<16xi32>
    tpu.vector_store %arg5[%swap3A_65], %swap3A_68 {strides = array<i32>} : memref<128xi32, #tpu.memory_space<vmem>>, vector<16xi32>,
    %dma_start3A = arith.constant 0 : i32
    %dma_start3A_69 = arith.constant 0 : i32
    %dma_start3A_70 = arith.constant 0 : i32
    %dma_start3A_71 = arith.constant 0 : i32
    %dma_start3A_72 = tpu.memref_slice %arg6[%dma_start3A, %dma_start3A_69, %dma_start3A_70, %dma_start3A_71] : memref<2x48x1x1024xf32, #tpu.memory_space<vmem>> -> memref<1x48x1x1024xf32, #tpu.memory_space<vmem>>
    %dma_start3A_73 = tpu.memref_squeeze %dma_start3A_72 : memref<1x48x1x1024xf32, #tpu.memory_space<vmem>> -> memref<48x1x1024xf32, #tpu.memory_space<vmem>>
    %dma_start3A_74 = arith.constant 0 : i32
    %dma_start3A_75 = arith.constant 0 : i32
    %dma_start3A_76 = arith.constant 0 : i32
    %dma_start3A_77 = tpu.memref_slice %dma_start3A_73[%dma_start3A_74, %dma_start3A_75, %dma_start3A_76] : memref<48x1x1024xf32, #tpu.memory_space<vmem>> -> memref<48x1x1024xf32, #tpu.memory_space<vmem>>
    %dma_start3A_78 = arith.constant 0 : i32
    %dma_start3A_79 = tpu.memref_slice %arg5[%dma_start3A_78] : memref<128xi32, #tpu.memory_space<vmem>> -> memref<48xi32, #tpu.memory_space<vmem>>
    %dma_start3A_80 = arith.constant 0 : i32
    %dma_start3A_81 = arith.constant 0 : i32
    %dma_start3A_82 = arith.constant 0 : i32
    %dma_start3A_83 = tpu.memref_slice %arg2[%dma_start3A_80, %dma_start3A_81, %dma_start3A_82] : memref<512x1x1024xf32, #tpu.memory_space<hbm>> -> memref<512x1x1024xf32, #tpu.memory_space<hbm>>
    tpu.enqueue_indirect_dma source(%dma_start3A_83 : memref<512x1x1024xf32, #tpu.memory_space<hbm>>) target(%dma_start3A_77 : memref<48x1x1024xf32, #tpu.memory_space<vmem>>) offsets(%dma_start3A_79 : memref<48xi32, #tpu.memory_space<vmem>>) semaphore(%arg7 : memref<!tpu.dma_semaphore, #tpu.memory_space<semaphore_mem>>)
    %dma_start3A_84 = arith.constant 1 : i32
    %dma_start3A_85 = arith.constant 0 : i32
    %dma_start3A_86 = arith.constant 0 : i32
    %dma_start3A_87 = arith.constant 0 : i32
    %dma_start3A_88 = tpu.memref_slice %arg6[%dma_start3A_84, %dma_start3A_85, %dma_start3A_86, %dma_start3A_87] : memref<2x48x1x1024xf32, #tpu.memory_space<vmem>> -> memref<1x48x1x1024xf32, #tpu.memory_space<vmem>>
    %dma_start3A_89 = tpu.memref_squeeze %dma_start3A_88 : memref<1x48x1x1024xf32, #tpu.memory_space<vmem>> -> memref<48x1x1024xf32, #tpu.memory_space<vmem>>
    %dma_start3A_90 = arith.constant 0 : i32
    %dma_start3A_91 = arith.constant 0 : i32
    %dma_start3A_92 = arith.constant 0 : i32
    %dma_start3A_93 = tpu.memref_slice %dma_start3A_89[%dma_start3A_90, %dma_start3A_91, %dma_start3A_92] : memref<48x1x1024xf32, #tpu.memory_space<vmem>> -> memref<48x1x1024xf32, #tpu.memory_space<vmem>>
    %dma_start3A_94 = arith.constant 48 : i32
    %dma_start3A_95 = tpu.memref_slice %arg5[%dma_start3A_94] : memref<128xi32, #tpu.memory_space<vmem>> -> memref<48xi32, #tpu.memory_space<vmem>>
    %dma_start3A_96 = arith.constant 0 : i32
    %dma_start3A_97 = arith.constant 0 : i32
    %dma_start3A_98 = arith.constant 0 : i32
    %dma_start3A_99 = tpu.memref_slice %arg2[%dma_start3A_96, %dma_start3A_97, %dma_start3A_98] : memref<512x1x1024xf32, #tpu.memory_space<hbm>> -> memref<512x1x1024xf32, #tpu.memory_space<hbm>>
    tpu.enqueue_indirect_dma source(%dma_start3A_99 : memref<512x1x1024xf32, #tpu.memory_space<hbm>>) target(%dma_start3A_93 : memref<48x1x1024xf32, #tpu.memory_space<vmem>>) offsets(%dma_start3A_95 : memref<48xi32, #tpu.memory_space<vmem>>) semaphore(%arg7 : memref<!tpu.dma_semaphore, #tpu.memory_space<semaphore_mem>>)
    %dma_wait3A = arith.constant 0 : i32
    %dma_wait3A_100 = arith.constant 0 : i32
    %dma_wait3A_101 = arith.constant 0 : i32
    %dma_wait3A_102 = arith.constant 0 : i32
    %dma_wait3A_103 = tpu.memref_slice %arg6[%dma_wait3A, %dma_wait3A_100, %dma_wait3A_101, %dma_wait3A_102] : memref<2x48x1x1024xf32, #tpu.memory_space<vmem>> -> memref<1x48x1x1024xf32, #tpu.memory_space<vmem>>
    %dma_wait3A_104 = tpu.memref_squeeze %dma_wait3A_103 : memref<1x48x1x1024xf32, #tpu.memory_space<vmem>> -> memref<48x1x1024xf32, #tpu.memory_space<vmem>>
    %dma_wait3A_105 = arith.constant 0 : i32
    %dma_wait3A_106 = arith.constant 0 : i32
    %dma_wait3A_107 = arith.constant 0 : i32
    %dma_wait3A_108 = tpu.memref_slice %dma_wait3A_104[%dma_wait3A_105, %dma_wait3A_106, %dma_wait3A_107] : memref<48x1x1024xf32, #tpu.memory_space<vmem>> -> memref<48x1x1024xf32, #tpu.memory_space<vmem>>
    %dma_wait3A_109 = arith.constant 0 : i32
    %dma_wait3A_110 = tpu.memref_slice %arg5[%dma_wait3A_109] : memref<128xi32, #tpu.memory_space<vmem>> -> memref<48xi32, #tpu.memory_space<vmem>>
    %dma_wait3A_111 = arith.constant 0 : i32
    %dma_wait3A_112 = arith.constant 0 : i32
    %dma_wait3A_113 = arith.constant 0 : i32
    %dma_wait3A_114 = tpu.memref_slice %arg2[%dma_wait3A_111, %dma_wait3A_112, %dma_wait3A_113] : memref<512x1x1024xf32, #tpu.memory_space<hbm>> -> memref<512x1x1024xf32, #tpu.memory_space<hbm>>
    tpu.wait_indirect_dma semaphore(%arg7 : memref<!tpu.dma_semaphore, #tpu.memory_space<semaphore_mem>>) src(%dma_wait3A_114 : memref<512x1x1024xf32, #tpu.memory_space<hbm>>) dst(%dma_wait3A_108 : memref<48x1x1024xf32, #tpu.memory_space<vmem>>)
    %add3A_115 = arith.constant 0 : i32
    %add3A_116 = arith.addi %add3A_4, %add3A_115 : i32
    %dma_start3A_117 = arith.constant 0 : i32
    %dma_start3A_118 = arith.constant 0 : i32
    %dma_start3A_119 = arith.constant 0 : i32
    %dma_start3A_120 = arith.constant 0 : i32
    %dma_start3A_121 = tpu.memref_slice %arg6[%dma_start3A_117, %dma_start3A_118, %dma_start3A_119, %dma_start3A_120] : memref<2x48x1x1024xf32, #tpu.memory_space<vmem>> -> memref<1x48x1x1024xf32, #tpu.memory_space<vmem>>
    %dma_start3A_122 = tpu.memref_squeeze %dma_start3A_121 : memref<1x48x1x1024xf32, #tpu.memory_space<vmem>> -> memref<48x1x1024xf32, #tpu.memory_space<vmem>>
    %dma_start3A_123 = arith.constant 0 : i32
    %dma_start3A_124 = arith.constant 0 : i32
    %dma_start3A_125 = arith.constant 0 : i32
    %dma_start3A_126 = tpu.memref_slice %dma_start3A_122[%dma_start3A_123, %dma_start3A_124, %dma_start3A_125] : memref<48x1x1024xf32, #tpu.memory_space<vmem>> -> memref<48x1x1024xf32, #tpu.memory_space<vmem>>
    %dma_start3A_127 = arith.constant 0 : i32
    %dma_start3A_128 = arith.constant 0 : i32
    %dma_start3A_129 = tpu.memref_slice %arg4[%add3A_116, %dma_start3A_127, %dma_start3A_128] : memref<16384x1x1024xf32, #tpu.memory_space<hbm>> -> memref<48x1x1024xf32, #tpu.memory_space<hbm>>
    %dma_start3A_130 = arith.constant 0 : i32
    %dma_start3A_131 = arith.constant 0 : i32
    %dma_start3A_132 = tpu.memref_slice %arg4[%add3A_116, %dma_start3A_130, %dma_start3A_131] : memref<16384x1x1024xf32, #tpu.memory_space<hbm>> -> memref<48x1x1024xf32, #tpu.memory_space<hbm>>
    %dma_start3A_133 = arith.constant 0 : i32
    %dma_start3A_134 = arith.constant 0 : i32
    %dma_start3A_135 = arith.constant 0 : i32
    %dma_start3A_136 = tpu.memref_slice %arg6[%dma_start3A_117, %dma_start3A_133, %dma_start3A_134, %dma_start3A_135] : memref<2x48x1x1024xf32, #tpu.memory_space<vmem>> -> memref<1x48x1x1024xf32, #tpu.memory_space<vmem>>
    %dma_start3A_137 = tpu.memref_squeeze %dma_start3A_136 : memref<1x48x1x1024xf32, #tpu.memory_space<vmem>> -> memref<48x1x1024xf32, #tpu.memory_space<vmem>>
    %dma_start3A_138 = arith.constant 0 : i32
    %dma_start3A_139 = arith.constant 0 : i32
    %dma_start3A_140 = arith.constant 0 : i32
    %dma_start3A_141 = tpu.memref_slice %dma_start3A_137[%dma_start3A_138, %dma_start3A_139, %dma_start3A_140] : memref<48x1x1024xf32, #tpu.memory_space<vmem>> -> memref<48x1x1024xf32, #tpu.memory_space<vmem>>
    tpu.enqueue_dma source(%dma_start3A_141 : memref<48x1x1024xf32, #tpu.memory_space<vmem>>) target(%dma_start3A_132 : memref<48x1x1024xf32, #tpu.memory_space<hbm>>) target_semaphore(%arg8 : memref<!tpu.dma_semaphore, #tpu.memory_space<semaphore_mem>>)
    %dma_wait3A_142 = arith.constant 0 : i32
    %dma_wait3A_143 = arith.constant 0 : i32
    %dma_wait3A_144 = arith.constant 0 : i32
    %dma_wait3A_145 = arith.constant 0 : i32
    %dma_wait3A_146 = tpu.memref_slice %arg6[%dma_wait3A_142, %dma_wait3A_143, %dma_wait3A_144, %dma_wait3A_145] : memref<2x48x1x1024xf32, #tpu.memory_space<vmem>> -> memref<1x48x1x1024xf32, #tpu.memory_space<vmem>>
    %dma_wait3A_147 = tpu.memref_squeeze %dma_wait3A_146 : memref<1x48x1x1024xf32, #tpu.memory_space<vmem>> -> memref<48x1x1024xf32, #tpu.memory_space<vmem>>
    %dma_wait3A_148 = arith.constant 0 : i32
    %dma_wait3A_149 = arith.constant 0 : i32
    %dma_wait3A_150 = arith.constant 0 : i32
    %dma_wait3A_151 = tpu.memref_slice %dma_wait3A_147[%dma_wait3A_148, %dma_wait3A_149, %dma_wait3A_150] : memref<48x1x1024xf32, #tpu.memory_space<vmem>> -> memref<48x1x1024xf32, #tpu.memory_space<vmem>>
    %dma_wait3A_152 = arith.constant 0 : i32
    %dma_wait3A_153 = arith.constant 0 : i32
    %dma_wait3A_154 = tpu.memref_slice %arg4[%add3A_116, %dma_wait3A_152, %dma_wait3A_153] : memref<16384x1x1024xf32, #tpu.memory_space<hbm>> -> memref<48x1x1024xf32, #tpu.memory_space<hbm>>
    %dma_wait3A_155 = arith.constant 0 : i32
    %dma_wait3A_156 = arith.constant 0 : i32
    %dma_wait3A_157 = tpu.memref_slice %arg4[%add3A_116, %dma_wait3A_155, %dma_wait3A_156] : memref<16384x1x1024xf32, #tpu.memory_space<hbm>> -> memref<48x1x1024xf32, #tpu.memory_space<hbm>>
    %dma_wait3A_158 = arith.constant 0 : i32
    %dma_wait3A_159 = arith.constant 0 : i32
    %dma_wait3A_160 = arith.constant 0 : i32
    %dma_wait3A_161 = tpu.memref_slice %arg6[%dma_wait3A_142, %dma_wait3A_158, %dma_wait3A_159, %dma_wait3A_160] : memref<2x48x1x1024xf32, #tpu.memory_space<vmem>> -> memref<1x48x1x1024xf32, #tpu.memory_space<vmem>>
    %dma_wait3A_162 = tpu.memref_squeeze %dma_wait3A_161 : memref<1x48x1x1024xf32, #tpu.memory_space<vmem>> -> memref<48x1x1024xf32, #tpu.memory_space<vmem>>
    %dma_wait3A_163 = arith.constant 0 : i32
    %dma_wait3A_164 = arith.constant 0 : i32
    %dma_wait3A_165 = arith.constant 0 : i32
    %dma_wait3A_166 = tpu.memref_slice %dma_wait3A_162[%dma_wait3A_163, %dma_wait3A_164, %dma_wait3A_165] : memref<48x1x1024xf32, #tpu.memory_space<vmem>> -> memref<48x1x1024xf32, #tpu.memory_space<vmem>>
    tpu.wait_dma2 semaphore(%arg8 : memref<!tpu.dma_semaphore, #tpu.memory_space<semaphore_mem>>) src(%dma_wait3A_166 : memref<48x1x1024xf32, #tpu.memory_space<vmem>>) dst(%dma_wait3A_157 : memref<48x1x1024xf32, #tpu.memory_space<hbm>>)
    %dma_start3A_167 = arith.constant 0 : i32
    %dma_start3A_168 = arith.constant 0 : i32
    %dma_start3A_169 = arith.constant 0 : i32
    %dma_start3A_170 = arith.constant 0 : i32
    %dma_start3A_171 = tpu.memref_slice %arg6[%dma_start3A_167, %dma_start3A_168, %dma_start3A_169, %dma_start3A_170] : memref<2x48x1x1024xf32, #tpu.memory_space<vmem>> -> memref<1x48x1x1024xf32, #tpu.memory_space<vmem>>
    %dma_start3A_172 = tpu.memref_squeeze %dma_start3A_171 : memref<1x48x1x1024xf32, #tpu.memory_space<vmem>> -> memref<48x1x1024xf32, #tpu.memory_space<vmem>>
    %dma_start3A_173 = arith.constant 0 : i32
    %dma_start3A_174 = arith.constant 0 : i32
    %dma_start3A_175 = arith.constant 0 : i32
    %dma_start3A_176 = tpu.memref_slice %dma_start3A_172[%dma_start3A_173, %dma_start3A_174, %dma_start3A_175] : memref<48x1x1024xf32, #tpu.memory_space<vmem>> -> memref<32x1x1024xf32, #tpu.memory_space<vmem>>
    %dma_start3A_177 = arith.constant 96 : i32
    %dma_start3A_178 = tpu.memref_slice %arg5[%dma_start3A_177] : memref<128xi32, #tpu.memory_space<vmem>> -> memref<32xi32, #tpu.memory_space<vmem>>
    %dma_start3A_179 = arith.constant 0 : i32
    %dma_start3A_180 = arith.constant 0 : i32
    %dma_start3A_181 = arith.constant 0 : i32
    %dma_start3A_182 = tpu.memref_slice %arg2[%dma_start3A_179, %dma_start3A_180, %dma_start3A_181] : memref<512x1x1024xf32, #tpu.memory_space<hbm>> -> memref<512x1x1024xf32, #tpu.memory_space<hbm>>
    tpu.enqueue_indirect_dma source(%dma_start3A_182 : memref<512x1x1024xf32, #tpu.memory_space<hbm>>) target(%dma_start3A_176 : memref<32x1x1024xf32, #tpu.memory_space<vmem>>) offsets(%dma_start3A_178 : memref<32xi32, #tpu.memory_space<vmem>>) semaphore(%arg7 : memref<!tpu.dma_semaphore, #tpu.memory_space<semaphore_mem>>)
    %dma_wait3A_183 = arith.constant 1 : i32
    %dma_wait3A_184 = arith.constant 0 : i32
    %dma_wait3A_185 = arith.constant 0 : i32
    %dma_wait3A_186 = arith.constant 0 : i32
    %dma_wait3A_187 = tpu.memref_slice %arg6[%dma_wait3A_183, %dma_wait3A_184, %dma_wait3A_185, %dma_wait3A_186] : memref<2x48x1x1024xf32, #tpu.memory_space<vmem>> -> memref<1x48x1x1024xf32, #tpu.memory_space<vmem>>
    %dma_wait3A_188 = tpu.memref_squeeze %dma_wait3A_187 : memref<1x48x1x1024xf32, #tpu.memory_space<vmem>> -> memref<48x1x1024xf32, #tpu.memory_space<vmem>>
    %dma_wait3A_189 = arith.constant 0 : i32
    %dma_wait3A_190 = arith.constant 0 : i32
    %dma_wait3A_191 = arith.constant 0 : i32
    %dma_wait3A_192 = tpu.memref_slice %dma_wait3A_188[%dma_wait3A_189, %dma_wait3A_190, %dma_wait3A_191] : memref<48x1x1024xf32, #tpu.memory_space<vmem>> -> memref<48x1x1024xf32, #tpu.memory_space<vmem>>
    %dma_wait3A_193 = arith.constant 48 : i32
    %dma_wait3A_194 = tpu.memref_slice %arg5[%dma_wait3A_193] : memref<128xi32, #tpu.memory_space<vmem>> -> memref<48xi32, #tpu.memory_space<vmem>>
    %dma_wait3A_195 = arith.constant 0 : i32
    %dma_wait3A_196 = arith.constant 0 : i32
    %dma_wait3A_197 = arith.constant 0 : i32
    %dma_wait3A_198 = tpu.memref_slice %arg2[%dma_wait3A_195, %dma_wait3A_196, %dma_wait3A_197] : memref<512x1x1024xf32, #tpu.memory_space<hbm>> -> memref<512x1x1024xf32, #tpu.memory_space<hbm>>
    tpu.wait_indirect_dma semaphore(%arg7 : memref<!tpu.dma_semaphore, #tpu.memory_space<semaphore_mem>>) src(%dma_wait3A_198 : memref<512x1x1024xf32, #tpu.memory_space<hbm>>) dst(%dma_wait3A_192 : memref<48x1x1024xf32, #tpu.memory_space<vmem>>)
    %add3A_199 = arith.constant 48 : i32
    %add3A_200 = arith.addi %add3A_4, %add3A_199 : i32
    %dma_start3A_201 = arith.constant 1 : i32
    %dma_start3A_202 = arith.constant 0 : i32
    %dma_start3A_203 = arith.constant 0 : i32
    %dma_start3A_204 = arith.constant 0 : i32
    %dma_start3A_205 = tpu.memref_slice %arg6[%dma_start3A_201, %dma_start3A_202, %dma_start3A_203, %dma_start3A_204] : memref<2x48x1x1024xf32, #tpu.memory_space<vmem>> -> memref<1x48x1x1024xf32, #tpu.memory_space<vmem>>
    %dma_start3A_206 = tpu.memref_squeeze %dma_start3A_205 : memref<1x48x1x1024xf32, #tpu.memory_space<vmem>> -> memref<48x1x1024xf32, #tpu.memory_space<vmem>>
    %dma_start3A_207 = arith.constant 0 : i32
    %dma_start3A_208 = arith.constant 0 : i32
    %dma_start3A_209 = arith.constant 0 : i32
    %dma_start3A_210 = tpu.memref_slice %dma_start3A_206[%dma_start3A_207, %dma_start3A_208, %dma_start3A_209] : memref<48x1x1024xf32, #tpu.memory_space<vmem>> -> memref<48x1x1024xf32, #tpu.memory_space<vmem>>
    %dma_start3A_211 = arith.constant 0 : i32
    %dma_start3A_212 = arith.constant 0 : i32
    %dma_start3A_213 = tpu.memref_slice %arg4[%add3A_200, %dma_start3A_211, %dma_start3A_212] : memref<16384x1x1024xf32, #tpu.memory_space<hbm>> -> memref<48x1x1024xf32, #tpu.memory_space<hbm>>
    %dma_start3A_214 = arith.constant 0 : i32
    %dma_start3A_215 = arith.constant 0 : i32
    %dma_start3A_216 = tpu.memref_slice %arg4[%add3A_200, %dma_start3A_214, %dma_start3A_215] : memref<16384x1x1024xf32, #tpu.memory_space<hbm>> -> memref<48x1x1024xf32, #tpu.memory_space<hbm>>
    %dma_start3A_217 = arith.constant 0 : i32
    %dma_start3A_218 = arith.constant 0 : i32
    %dma_start3A_219 = arith.constant 0 : i32
    %dma_start3A_220 = tpu.memref_slice %arg6[%dma_start3A_201, %dma_start3A_217, %dma_start3A_218, %dma_start3A_219] : memref<2x48x1x1024xf32, #tpu.memory_space<vmem>> -> memref<1x48x1x1024xf32, #tpu.memory_space<vmem>>
    %dma_start3A_221 = tpu.memref_squeeze %dma_start3A_220 : memref<1x48x1x1024xf32, #tpu.memory_space<vmem>> -> memref<48x1x1024xf32, #tpu.memory_space<vmem>>
    %dma_start3A_222 = arith.constant 0 : i32
    %dma_start3A_223 = arith.constant 0 : i32
    %dma_start3A_224 = arith.constant 0 : i32
    %dma_start3A_225 = tpu.memref_slice %dma_start3A_221[%dma_start3A_222, %dma_start3A_223, %dma_start3A_224] : memref<48x1x1024xf32, #tpu.memory_space<vmem>> -> memref<48x1x1024xf32, #tpu.memory_space<vmem>>
    tpu.enqueue_dma source(%dma_start3A_225 : memref<48x1x1024xf32, #tpu.memory_space<vmem>>) target(%dma_start3A_216 : memref<48x1x1024xf32, #tpu.memory_space<hbm>>) target_semaphore(%arg8 : memref<!tpu.dma_semaphore, #tpu.memory_space<semaphore_mem>>)
    %dma_wait3A_226 = arith.constant 0 : i32
    %dma_wait3A_227 = arith.constant 0 : i32
    %dma_wait3A_228 = arith.constant 0 : i32
    %dma_wait3A_229 = arith.constant 0 : i32
    %dma_wait3A_230 = tpu.memref_slice %arg6[%dma_wait3A_226, %dma_wait3A_227, %dma_wait3A_228, %dma_wait3A_229] : memref<2x48x1x1024xf32, #tpu.memory_space<vmem>> -> memref<1x48x1x1024xf32, #tpu.memory_space<vmem>>
    %dma_wait3A_231 = tpu.memref_squeeze %dma_wait3A_230 : memref<1x48x1x1024xf32, #tpu.memory_space<vmem>> -> memref<48x1x1024xf32, #tpu.memory_space<vmem>>
    %dma_wait3A_232 = arith.constant 0 : i32
    %dma_wait3A_233 = arith.constant 0 : i32
    %dma_wait3A_234 = arith.constant 0 : i32
    %dma_wait3A_235 = tpu.memref_slice %dma_wait3A_231[%dma_wait3A_232, %dma_wait3A_233, %dma_wait3A_234] : memref<48x1x1024xf32, #tpu.memory_space<vmem>> -> memref<32x1x1024xf32, #tpu.memory_space<vmem>>
    %dma_wait3A_236 = arith.constant 96 : i32
    %dma_wait3A_237 = tpu.memref_slice %arg5[%dma_wait3A_236] : memref<128xi32, #tpu.memory_space<vmem>> -> memref<32xi32, #tpu.memory_space<vmem>>
    %dma_wait3A_238 = arith.constant 0 : i32
    %dma_wait3A_239 = arith.constant 0 : i32
    %dma_wait3A_240 = arith.constant 0 : i32
    %dma_wait3A_241 = tpu.memref_slice %arg2[%dma_wait3A_238, %dma_wait3A_239, %dma_wait3A_240] : memref<512x1x1024xf32, #tpu.memory_space<hbm>> -> memref<512x1x1024xf32, #tpu.memory_space<hbm>>
    tpu.wait_indirect_dma semaphore(%arg7 : memref<!tpu.dma_semaphore, #tpu.memory_space<semaphore_mem>>) src(%dma_wait3A_241 : memref<512x1x1024xf32, #tpu.memory_space<hbm>>) dst(%dma_wait3A_235 : memref<32x1x1024xf32, #tpu.memory_space<vmem>>)
    %add3A_242 = arith.constant 96 : i32
    %add3A_243 = arith.addi %add3A_4, %add3A_242 : i32
    %dma_start3A_244 = arith.constant 0 : i32
    %dma_start3A_245 = arith.constant 0 : i32
    %dma_start3A_246 = arith.constant 0 : i32
    %dma_start3A_247 = arith.constant 0 : i32
    %dma_start3A_248 = tpu.memref_slice %arg6[%dma_start3A_244, %dma_start3A_245, %dma_start3A_246, %dma_start3A_247] : memref<2x48x1x1024xf32, #tpu.memory_space<vmem>> -> memref<1x48x1x1024xf32, #tpu.memory_space<vmem>>
    %dma_start3A_249 = tpu.memref_squeeze %dma_start3A_248 : memref<1x48x1x1024xf32, #tpu.memory_space<vmem>> -> memref<48x1x1024xf32, #tpu.memory_space<vmem>>
    %dma_start3A_250 = arith.constant 0 : i32
    %dma_start3A_251 = arith.constant 0 : i32
    %dma_start3A_252 = arith.constant 0 : i32
    %dma_start3A_253 = tpu.memref_slice %dma_start3A_249[%dma_start3A_250, %dma_start3A_251, %dma_start3A_252] : memref<48x1x1024xf32, #tpu.memory_space<vmem>> -> memref<32x1x1024xf32, #tpu.memory_space<vmem>>
    %dma_start3A_254 = arith.constant 0 : i32
    %dma_start3A_255 = arith.constant 0 : i32
    %dma_start3A_256 = tpu.memref_slice %arg4[%add3A_243, %dma_start3A_254, %dma_start3A_255] : memref<16384x1x1024xf32, #tpu.memory_space<hbm>> -> memref<32x1x1024xf32, #tpu.memory_space<hbm>>
    %dma_start3A_257 = arith.constant 0 : i32
    %dma_start3A_258 = arith.constant 0 : i32
    %dma_start3A_259 = tpu.memref_slice %arg4[%add3A_243, %dma_start3A_257, %dma_start3A_258] : memref<16384x1x1024xf32, #tpu.memory_space<hbm>> -> memref<32x1x1024xf32, #tpu.memory_space<hbm>>
    %dma_start3A_260 = arith.constant 0 : i32
    %dma_start3A_261 = arith.constant 0 : i32
    %dma_start3A_262 = arith.constant 0 : i32
    %dma_start3A_263 = tpu.memref_slice %arg6[%dma_start3A_244, %dma_start3A_260, %dma_start3A_261, %dma_start3A_262] : memref<2x48x1x1024xf32, #tpu.memory_space<vmem>> -> memref<1x48x1x1024xf32, #tpu.memory_space<vmem>>
    %dma_start3A_264 = tpu.memref_squeeze %dma_start3A_263 : memref<1x48x1x1024xf32, #tpu.memory_space<vmem>> -> memref<48x1x1024xf32, #tpu.memory_space<vmem>>
    %dma_start3A_265 = arith.constant 0 : i32
    %dma_start3A_266 = arith.constant 0 : i32
    %dma_start3A_267 = arith.constant 0 : i32
    %dma_start3A_268 = tpu.memref_slice %dma_start3A_264[%dma_start3A_265, %dma_start3A_266, %dma_start3A_267] : memref<48x1x1024xf32, #tpu.memory_space<vmem>> -> memref<32x1x1024xf32, #tpu.memory_space<vmem>>
    tpu.enqueue_dma source(%dma_start3A_268 : memref<32x1x1024xf32, #tpu.memory_space<vmem>>) target(%dma_start3A_259 : memref<32x1x1024xf32, #tpu.memory_space<hbm>>) target_semaphore(%arg8 : memref<!tpu.dma_semaphore, #tpu.memory_space<semaphore_mem>>)
    %dma_wait3A_269 = arith.constant 1 : i32
    %dma_wait3A_270 = arith.constant 0 : i32
    %dma_wait3A_271 = arith.constant 0 : i32
    %dma_wait3A_272 = arith.constant 0 : i32
    %dma_wait3A_273 = tpu.memref_slice %arg6[%dma_wait3A_269, %dma_wait3A_270, %dma_wait3A_271, %dma_wait3A_272] : memref<2x48x1x1024xf32, #tpu.memory_space<vmem>> -> memref<1x48x1x1024xf32, #tpu.memory_space<vmem>>
    %dma_wait3A_274 = tpu.memref_squeeze %dma_wait3A_273 : memref<1x48x1x1024xf32, #tpu.memory_space<vmem>> -> memref<48x1x1024xf32, #tpu.memory_space<vmem>>
    %dma_wait3A_275 = arith.constant 0 : i32
    %dma_wait3A_276 = arith.constant 0 : i32
    %dma_wait3A_277 = arith.constant 0 : i32
    %dma_wait3A_278 = tpu.memref_slice %dma_wait3A_274[%dma_wait3A_275, %dma_wait3A_276, %dma_wait3A_277] : memref<48x1x1024xf32, #tpu.memory_space<vmem>> -> memref<48x1x1024xf32, #tpu.memory_space<vmem>>
    %dma_wait3A_279 = arith.constant 0 : i32
    %dma_wait3A_280 = arith.constant 0 : i32
    %dma_wait3A_281 = tpu.memref_slice %arg4[%add3A_200, %dma_wait3A_279, %dma_wait3A_280] : memref<16384x1x1024xf32, #tpu.memory_space<hbm>> -> memref<48x1x1024xf32, #tpu.memory_space<hbm>>
    %dma_wait3A_282 = arith.constant 0 : i32
    %dma_wait3A_283 = arith.constant 0 : i32
    %dma_wait3A_284 = tpu.memref_slice %arg4[%add3A_200, %dma_wait3A_282, %dma_wait3A_283] : memref<16384x1x1024xf32, #tpu.memory_space<hbm>> -> memref<48x1x1024xf32, #tpu.memory_space<hbm>>
    %dma_wait3A_285 = arith.constant 0 : i32
    %dma_wait3A_286 = arith.constant 0 : i32
    %dma_wait3A_287 = arith.constant 0 : i32
    %dma_wait3A_288 = tpu.memref_slice %arg6[%dma_wait3A_269, %dma_wait3A_285, %dma_wait3A_286, %dma_wait3A_287] : memref<2x48x1x1024xf32, #tpu.memory_space<vmem>> -> memref<1x48x1x1024xf32, #tpu.memory_space<vmem>>
    %dma_wait3A_289 = tpu.memref_squeeze %dma_wait3A_288 : memref<1x48x1x1024xf32, #tpu.memory_space<vmem>> -> memref<48x1x1024xf32, #tpu.memory_space<vmem>>
    %dma_wait3A_290 = arith.constant 0 : i32
    %dma_wait3A_291 = arith.constant 0 : i32
    %dma_wait3A_292 = arith.constant 0 : i32
    %dma_wait3A_293 = tpu.memref_slice %dma_wait3A_289[%dma_wait3A_290, %dma_wait3A_291, %dma_wait3A_292] : memref<48x1x1024xf32, #tpu.memory_space<vmem>> -> memref<48x1x1024xf32, #tpu.memory_space<vmem>>
    tpu.wait_dma2 semaphore(%arg8 : memref<!tpu.dma_semaphore, #tpu.memory_space<semaphore_mem>>) src(%dma_wait3A_293 : memref<48x1x1024xf32, #tpu.memory_space<vmem>>) dst(%dma_wait3A_284 : memref<48x1x1024xf32, #tpu.memory_space<hbm>>)
    %dma_wait3A_294 = arith.constant 0 : i32
    %dma_wait3A_295 = arith.constant 0 : i32
    %dma_wait3A_296 = arith.constant 0 : i32
    %dma_wait3A_297 = arith.constant 0 : i32
    %dma_wait3A_298 = tpu.memref_slice %arg6[%dma_wait3A_294, %dma_wait3A_295, %dma_wait3A_296, %dma_wait3A_297] : memref<2x48x1x1024xf32, #tpu.memory_space<vmem>> -> memref<1x48x1x1024xf32, #tpu.memory_space<vmem>>
    %dma_wait3A_299 = tpu.memref_squeeze %dma_wait3A_298 : memref<1x48x1x1024xf32, #tpu.memory_space<vmem>> -> memref<48x1x1024xf32, #tpu.memory_space<vmem>>
    %dma_wait3A_300 = arith.constant 0 : i32
    %dma_wait3A_301 = arith.constant 0 : i32
    %dma_wait3A_302 = arith.constant 0 : i32
    %dma_wait3A_303 = tpu.memref_slice %dma_wait3A_299[%dma_wait3A_300, %dma_wait3A_301, %dma_wait3A_302] : memref<48x1x1024xf32, #tpu.memory_space<vmem>> -> memref<32x1x1024xf32, #tpu.memory_space<vmem>>
    %dma_wait3A_304 = arith.constant 0 : i32
    %dma_wait3A_305 = arith.constant 0 : i32
    %dma_wait3A_306 = tpu.memref_slice %arg4[%add3A_243, %dma_wait3A_304, %dma_wait3A_305] : memref<16384x1x1024xf32, #tpu.memory_space<hbm>> -> memref<32x1x1024xf32, #tpu.memory_space<hbm>>
    %dma_wait3A_307 = arith.constant 0 : i32
    %dma_wait3A_308 = arith.constant 0 : i32
    %dma_wait3A_309 = tpu.memref_slice %arg4[%add3A_243, %dma_wait3A_307, %dma_wait3A_308] : memref<16384x1x1024xf32, #tpu.memory_space<hbm>> -> memref<32x1x1024xf32, #tpu.memory_space<hbm>>
    %dma_wait3A_310 = arith.constant 0 : i32
    %dma_wait3A_311 = arith.constant 0 : i32
    %dma_wait3A_312 = arith.constant 0 : i32
    %dma_wait3A_313 = tpu.memref_slice %arg6[%dma_wait3A_294, %dma_wait3A_310, %dma_wait3A_311, %dma_wait3A_312] : memref<2x48x1x1024xf32, #tpu.memory_space<vmem>> -> memref<1x48x1x1024xf32, #tpu.memory_space<vmem>>
    %dma_wait3A_314 = tpu.memref_squeeze %dma_wait3A_313 : memref<1x48x1x1024xf32, #tpu.memory_space<vmem>> -> memref<48x1x1024xf32, #tpu.memory_space<vmem>>
    %dma_wait3A_315 = arith.constant 0 : i32
    %dma_wait3A_316 = arith.constant 0 : i32
    %dma_wait3A_317 = arith.constant 0 : i32
    %dma_wait3A_318 = tpu.memref_slice %dma_wait3A_314[%dma_wait3A_315, %dma_wait3A_316, %dma_wait3A_317] : memref<48x1x1024xf32, #tpu.memory_space<vmem>> -> memref<32x1x1024xf32, #tpu.memory_space<vmem>>
    tpu.wait_dma2 semaphore(%arg8 : memref<!tpu.dma_semaphore, #tpu.memory_space<semaphore_mem>>) src(%dma_wait3A_318 : memref<32x1x1024xf32, #tpu.memory_space<vmem>>) dst(%dma_wait3A_309 : memref<32x1x1024xf32, #tpu.memory_space<hbm>>)
    return
  }
}

</mosaic_0001>

<sc_bundles>
// kernel: _sc_embed.3.cloned.1.call-start
scs
__scs_entry_jumppad:
0x0: {  	(pc) =	sbr.rel $0x88, $3  }
0x1: {  	(tag) =	ssettag $0x0;
	lr =	simm.s32 $0x1  }
0x2: {  	[smem:$0x3F9F] =	sst lr;
	_ =	strace $0xD0000000  }
0x3: {  	_ = 	snop  }
0x4: {  	_ = 	snop  }
0x5: {  	_ = 	snop  }
0x6: {  	_ = 	snop  }
0x7: {  	_ = 	snop  }
__scs_overlays_trampoline_lowered:
0x8: {  	[smem:$0x3FAE] =	sst s0  }
0x9: {  	[smem:$0x3FAF] =	sst s1  }
0xa: {  	[smem:$0x3FB0] =	sst s2  }
0xb: {  	[smem:$0x3FB1] =	sst s3  }
0xc: {  	[smem:$0x3FB2] =	sst s4  }
0xd: {  	[smem:$0x3FB3] =	sst s5  }
0xe: {  	[smem:$0x3FB4] =	sst s6  }
0xf: {  	[smem:$0x3FB5] =	sst s7  }
0x10: {  	[smem:$0x3FB6] =	sst s8  }
0x11: {  	[smem:$0x3FB7] =	sst s9;
	s0 =	simm.s32 @!p0 $0x0  }
0x12: {  	s1 =	sld [smem:$0x3F9D];
	s0 =	simm.s32 @p0 $0x1  }
0x13: {  	[smem:$0x3FB8] =	sst s0;
	s0 =	simm.s32 @!p1 $0x0  }
0x14: {  	s2 =	sld [smem:$0x3F9C];
	s0 =	simm.s32 @p1 $0x1  }
0x15: {  	[smem:$0x3FB9] =	sst s0;
	s0 =	simm.s32 @!p2 $0x0  }
0x16: {  	s3 =	sld [smem:$0x3FDB];
	s0 =	simm.s32 @p2 $0x1  }
0x17: {  	s4 =	simm.s32 $0x1BF5;
	[smem:$0x3FBB] =	sst s0  }
0x18: {  	s0 =	sld [smem:$0x3F9E];
	_ =	swait.ge [sflag:s4], $0x0  }
0x19: {  	s7 =	sld [smem:$0x3F9F]  }
0x1a: {  	s8 =	sadd.s32 $0xFFFFE003, lr  }
0x1b: {  	s9 =	sadd.s32 $0xFFFFFEF7, lr;
	s5 =	simm.s32 $0xFFFFFFFF;
	p2 =	slt.u32 s8, $0xFFFFF086  }
0x1c: {  	p1 =	slt.u32 s9, $0xF7A;
	s5 =	simm.s32 @!p2 $0x0  }
0x1d: {  	s5 =	simm.s32 @p1 $0x1;
	p0 =	seq.s32 s7, s2  }
0x1e: {  	s7 =	smul.u32 @!p0 $0xF7A, s2;
	p2 =	seq.s32 @!p0 s5, $0x0  }
0x1f: {  	s9 =	smul.u32 $0xF7A, s1;
	s8 =	simm.s32 @!p0 $0x1BF5;
	p2 =	por !p2, p0  }
0x20: {  	[sflag:s8] =	ssyncset.s32 @!p0 $0xFFFFF086;
	s6 =	sadd.s32 @!p0 s3, s7;
	s7 =	simm.s32 @!p0 $0x108  }
0x21: {  	s3 =	sadd.s32 s3, s9;
	s6 =	sadd.s32 @!p0 $0x88, s6;
	s7 =	simm.s32 @p2 $0x1082  }
0x22: {  	[simem:s7], [sflag:s8] =	dma.local @!p0 [hbm:s6], $0xF7A  }
0x23: {  	s9 =	sor.u32 $0xD0000000, s2;
	s6 =	simm.s32 $0x108;
	_ =	swait.ge @!p0 [sflag:s8], $0x0  }
0x24: {  	s3 =	sadd.s32 $0x88, s3;
	s6 =	simm.s32 @!p1 $0x1082;
	[sflag:s4] =	ssyncset.s32 $0xFFFFF086  }
0x25: {  	[simem:s6], [sflag:s4] =	dma.local [hbm:s3], $0xF7A  }
0x26: {  	[smem:$0x3F9F] =	sst s1;
	(tag) =	ssettag s2;
	_ =	strace s9  }
0x27: {  	s1 =	sld [smem:$0x3FAF]  }
0x28: {  	s2 =	sld [smem:$0x3FB0]  }
0x29: {  	s4 =	sld [smem:$0x3FB2]  }
0x2a: {  	p0 =	seq.s32 s5, $0x0;
	s5 =	sld [smem:$0x3FB3]  }
0x2b: {  	s6 =	sld [smem:$0x3FB4]  }
0x2c: {  	s7 =	sld [smem:$0x3FB5]  }
0x2d: {  	s3 =	simm.s32 $0x108;
	s8 =	sld [smem:$0x3FB6]  }
0x2e: {  	s3 =	simm.s32 @!p0 $0x1082;
	s9 =	sld [smem:$0x3FB7]  }
0x2f: {  	lr =	sadd.s32 s0, s3;
	s0 =	sld [smem:$0x3FAE]  }
0x30: {  	s3 =	sld [smem:$0x3FB1]  }
0x31: {  	[smem:$0x3FBA] =	sst s10  }
0x32: {  	s10 =	sld [smem:$0x3FB8];
	_ =	sdelay $0x3  }
0x33: {  	p0 =	seq.s32 s10, $0x1;
	s10 =	sld [smem:$0x3FBA];
	_ =	sdelay $0x3  }
0x34: {  	[smem:$0x3FBA] =	sst s10  }
0x35: {  	s10 =	sld [smem:$0x3FB9];
	_ =	sdelay $0x3  }
0x36: {  	p1 =	seq.s32 s10, $0x1;
	s10 =	sld [smem:$0x3FBA];
	_ =	sdelay $0x3  }
0x37: {  	[smem:$0x3FBA] =	sst s10  }
0x38: {  	s10 =	sld [smem:$0x3FBB]  }
0x39: {  	_ = 	snop;
	(pc) =	sbr.ind lr, $3  }
0x3a: {  	_ = 	snop  }
0x3b: {  	_ = 	snop  }
0x3c: {  	p2 =	seq.s32 s10, $0x1;
	s10 =	sld [smem:$0x3FBA]  }
0x3d: {  	_ =	shalt  }
0x3e: {  	_ =	shalt  }
0x3f: {  	_ =	shalt  }
0x40: {  	_ =	shalt  }
0x41: {  	_ =	shalt  }
0x42: {  	_ =	shalt  }
0x43: {  	_ =	shalt  }
0x44: {  	_ =	shalt  }
0x45: {  	_ =	shalt  }
0x46: {  	_ =	shalt  }
0x47: {  	_ =	shalt  }
0x48: {  	_ =	shalt  }
0x49: {  	_ =	shalt  }
0x4a: {  	_ =	shalt  }
0x4b: {  	_ =	shalt  }
0x4c: {  	_ =	shalt  }
0x4d: {  	_ =	shalt  }
0x4e: {  	_ =	shalt  }
0x4f: {  	_ =	shalt  }
0x50: {  	_ =	shalt  }
0x51: {  	_ =	shalt  }
0x52: {  	_ =	shalt  }
0x53: {  	_ =	shalt  }
0x54: {  	_ =	shalt  }
0x55: {  	_ =	shalt  }
0x56: {  	_ =	shalt  }
0x57: {  	_ =	shalt  }
0x58: {  	_ =	shalt  }
0x59: {  	_ =	shalt  }
0x5a: {  	_ =	shalt  }
0x5b: {  	_ =	shalt  }
0x5c: {  	_ =	shalt  }
0x5d: {  	_ =	shalt  }
0x5e: {  	_ =	shalt  }
0x5f: {  	_ =	shalt  }
0x60: {  	_ =	shalt  }
0x61: {  	_ =	shalt  }
0x62: {  	_ =	shalt  }
0x63: {  	_ =	shalt  }
0x64: {  	_ =	shalt  }
0x65: {  	_ =	shalt  }
0x66: {  	_ =	shalt  }
0x67: {  	_ =	shalt  }
0x68: {  	_ =	shalt  }
0x69: {  	_ =	shalt  }
0x6a: {  	_ =	shalt  }
0x6b: {  	_ =	shalt  }
0x6c: {  	_ =	shalt  }
0x6d: {  	_ =	shalt  }
0x6e: {  	_ =	shalt  }
0x6f: {  	_ =	shalt  }
0x70: {  	_ =	shalt  }
0x71: {  	_ =	shalt  }
0x72: {  	_ =	shalt  }
0x73: {  	_ =	shalt  }
0x74: {  	_ =	shalt  }
0x75: {  	_ =	shalt  }
0x76: {  	_ =	shalt  }
0x77: {  	_ =	shalt  }
0x78: {  	_ =	shalt  }
0x79: {  	_ =	shalt  }
0x7a: {  	_ =	shalt  }
0x7b: {  	_ =	shalt  }
0x7c: {  	_ =	shalt  }
0x7d: {  	_ =	shalt  }
0x7e: {  	_ =	shalt  }
0x7f: {  	_ =	shalt  }
0x80: {  	_ =	shalt  }
0x81: {  	_ =	shalt  }
0x82: {  	_ =	shalt  }
0x83: {  	_ =	shalt  }
0x84: {  	_ =	shalt  }
0x85: {  	_ =	shalt  }
0x86: {  	_ =	shalt  }
0x87: {  	_ =	shalt  }
.Lfunc_end0:
.L_simem_size_0:
called_computation_lowered:
.L_overlay_start_0:
0x88: {  	s2 =	sld [smem:$0x3FD9]  }
0x89: {  	s3 =	sld [smem:$0x3FFE];
	_ =	sdelay $0x1  }
0x8a: {  	s1 =	srdreg.scid  }
0x8b: {  	s0 =	sand.u32 $0x1, s1  }
0x8c: {  	s18 =	sshll.u32 s0, $0xA;
	s2 =	sadd.s32 s3, s2  }
0x8d: {  	s2 =	sadd.s32 s2, s18  }
0x8e: {  	[smem:$0x3FC6] =	sst s2  }
0x8f: {  	_ = 	snop  }
0x90: {  	s2 =	sld [smem:$0x3FC9]  }
0x91: {  	s19 =	sld [smem:$0x3FC8]  }
0x92: {  	s4 =	sld [smem:$0x3FD0];
	(tm) =	ssettm $0x1  }
0x93: {  	s5 =	sld [smem:$0x3FFB];
	_ =	sdelay $0x3  }
0x94: {  	_ =	strace s5  }
0x95: {  	s5 =	sld [smem:$0x3FFC];
	_ =	sdelay $0x3  }
0x96: {  	_ =	strace s5  }
0x97: {  	s5 =	sld [smem:$0x3FFD];
	_ =	sdelay $0x3  }
0x98: {  	_ =	strace s5  }
0x99: {  	_ =	strace $0x8FFFFFFF  }
0x9a: {  	s20 =	sld [smem:$0x3FDB];
	_ =	sdelay $0x1  }
0x9b: {  	s6 =	simm.s32 $_scs_section_size  }
0x9c: {  	s7 =	simm.s32 $_size__tile_overlayer_lowered;
	s8 =	simm.s32 $_tile_overlayer_lowered  }
0x9d: {  	s23 =	simm.s32 $0x1BFF;
	s22 =	sshll.u32 s8, $0x1;
	s5 =	sadd.s32 s6, s20  }
0x9e: {  	s9 =	simm.s32 $0x0;
	s21 =	sshll.u32 s7, $0x1;
	s7 =	sadd.s32 s22, s5  }
0x9f: {  	[timem:s9], [sflag:s23] =	dma.local [hbm:s7], s21  }
0xa0: {  	_ =	swait.ge [sflag:s23], s21  }
0xa1: {  	s6 =	ssub.s32 $0x0, s21;
	[sflag:s23] =	ssyncset.done $0x0  }
0xa2: {  	[sflag:s23] =	ssyncadd.s32 s6;
	_ =	sdelay $0x1  }
0xa3: {  	s24 =	simm.s32 $0x1B8B  }
0xa4: {  	_ =	swait.ge [sflag:s24], $0x1  }
0xa5: {  	[sflag:s24] =	ssyncset.done $0x0  }
0xa6: {  	s25 =	simm.s32 $0x1B8E;
	[sflag:s24] =	ssyncadd.s32 $0xFFFFFFFF  }
0xa7: {  	s26 =	simm.s32 $execute0_lowered;
	[smem:$0x3FD2] =	sst s25  }
0xa8: {  	s6 =	sshll.u32 s26, $0x1;
	_ =	strace $0x80000046;
	[dreg:$0x1] =	wrdreg $0xFFFFFFFF  }
0xa9: {  	s28 =	simm.s32 $_size_execute0_lowered;
	s5 =	sadd.s32 s5, s6;
	[dreg:$0x0] =	wrdreg $0x0  }
0xaa: {  	s6 =	sshll.u32 s28, $0x1;
	[dreg:$0x2] =	wrdreg s5  }
0xab: {  	[dreg:$0x3] =	wrdreg s6  }
0xac: {  	[dreg:$0x4] =	wrdreg $0xC0  }
0xad: {  	_ =	task [dreg:s9], $0x5FFFF  }
0xae: {  	[dreg:$0x1] =	wrdreg $0xFFFFFFFF  }
0xaf: {  	[dreg:$0x0] =	wrdreg $0x60  }
0xb0: {  	[dreg:$0x2] =	wrdreg s2  }
0xb1: {  	[dreg:$0x3] =	wrdreg s19  }
0xb2: {  	[dreg:$0x4] =	wrdreg s4  }
0xb3: {  	[dreg:$0x5] =	wrdreg $0x9  }
0xb4: {  	_ =	task.clear_ibuf [dreg:s9], $0x6FFFF;
	_ =	strace $0x90000046  }
0xb5: {  	s29 =	simm.s32 $0x9;
	_ =	strace $0x80000048  }
0xb6: {  	_ =	swait.ge [sflag:s29], $0x1  }
0xb7: {  	[sflag:s29] =	ssyncadd.s32 $0xFFFFFFFF  }
0xb8: {  	_ =	strace $0x90000048  }
0xb9: {  	_ =	sfence  }
0xba: {  	s30 =	sld [smem:$0x0];
	_ =	sdelay $0x2  }
0xbb: {  	s31 =	sshll.u32 s1, $0xD;
	s1 =	sshrl.u32 s1, $0x2  }
0xbc: {  	s3 =	sand.u32 $0x4000, s31;
	s1 =	sadd.s32 s1, s30  }
0xbd: {  	s0 =	sor.u32 s3, s0;
	s1 =	sshll.u32 s1, $0x11  }
0xbe: {  	s0 =	sor.u32 s1, s0  }
0xbf: {  	s0 =	sadd.s32 $0x8F2B, s0  }
0xc0: {  	[sflag:s0] =	ssyncadd.remote.s32 $0x1  }
0xc1: {  	_ =	sfence.sel $0xFFFF  }
0xc2: {  	[dreg:$0x0] =	wrdreg $0xFFFFFFFF;
	(pc) =	sbr.abs _section_cstart, $3  }
0xc3: {  	[dreg:$0x1] =	wrdreg $0xFFFFFFFF  }
0xc4: {  	_ =	task.clear_ibuf [dreg:s9], $0x2FFFF;
	_ =	strace $0x9FFFFFFF  }
0xc5: {  	(tm) =	ssettm $0x7FFFFFFF  }
tec
execute0_lowered:
.L_overlay_start_1:
0x0: {  	(tag) =	ssettag $0x1  }
0x1: {  	s1 =	srdreg.scid;
	s0 =	stileid.u32  }
0x2: {  	s2 =	rddreg [dreg:$0x0];
	s12 =	sand.u32 $0x1, s1;
	s31 =	sshll.u32 s0, $0x1  }
0x3: {  	s4 =	rddreg [dreg:$0x1];
	s15 =	sor.u32 s12, s31  }
0x4: {  	s14 =	rddreg [dreg:$0x2];
	s5 =	sshll.u32 s15, $0x7  }
0x5: {  	s3 =	simm.s32 $0x0;
	s1 =	rddreg [dreg:$0x3];
	s8 =	sor.u32 $0x3000, s5  }
0x6: {  	[smem:$0x7FF] =	sst s3;
	s5 =	sshrl.u32 s8, $0x3  }
0x7: {  	_ =	strace $0x80000047;
	s4 =	sadd.s32 s4, s5;
	s5 =	simm.s32 $0x3  }
0x8: {  	[tilespmem:s3], [sflag:$0x3] =	stream.linear.gather [hbm4b:s4+s3], $0x80, $0x38;
	[tilespmem:$0x18080] =	vst v63  }
0x9: {  	_ =	swait.ge [sflag:s5], $0x80  }
0xa: {  	[sflag:s5] =	ssyncset.done $0x0  }
0xb: {  	[sflag:s5] =	ssyncadd.s32 $0xFFFFFF80  }
0xc: {  	v1 =	vld [tilespmem:$0x70]  }
0xd: {  	v2 =	vld [tilespmem:$0x60]  }
0xe: {  	v3 =	vld [tilespmem:$0x50]  }
0xf: {  	s6 =	sshll.u32 s15, $0x4;
	v4 =	vld [tilespmem:$0x30]  }
0x10: {  	v0 =	vmov s6;
	v5 =	vld [tilespmem:$0x20]  }
0x11: {  	v6 =	vld [tilespmem:$0x10];
	v1 =	vadd.s32 v0, v1  }
0x12: {  	v7 =	vld [tilespmem:$0x40];
	v2 =	vadd.s32 v0, v2;
	[tilespmem:$0x70] =	vst v1  }
0x13: {  	v3 =	vadd.s32 v0, v3;
	v1 =	vld [tilespmem:$0x0];
	[tilespmem:$0x60] =	vst v2  }
0x14: {  	v2 =	vadd.s32 v0, v4;
	[tilespmem:$0x50] =	vst v3  }
0x15: {  	v3 =	vadd.s32 v0, v5;
	[tilespmem:$0x30] =	vst v2  }
0x16: {  	v2 =	vadd.s32 v0, v6;
	[tilespmem:$0x20] =	vst v3  }
0x17: {  	[tilespmem:$0x10] =	vst v2;
	v2 =	vadd.s32 v0, v7  }
0x18: {  	[tilespmem:$0x40] =	vst v2;
	v1 =	vadd.s32 v0, v1  }
0x19: {  	s7 =	simm.s32 $0x30;
	s6 =	simm.s32 $0x80;
	[tilespmem:$0x0] =	vst v1  }
0x1a: {  	[tilespmem:s6], [sflag:$0x1] =	stream.indirect.gather [hbm4b:s2+s7], $0x400, s3, s7, $0xb8;
	[tilespmem:$0x18080] =	vst v63  }
0x1b: {  	s10 =	simm.s32 $0xC080;
	s9 =	simm.s32 $0x1  }
0x1c: {  	[tilespmem:s10], [sflag:$0x1] =	stream.indirect.gather [hbm4b:s2+s7], $0x400, s7, s7, $0xb8;
	[tilespmem:$0x18080] =	vst v63  }
0x1d: {  	_ =	swait.ge [sflag:s9], $0xC000  }
0x1e: {  	s16 =	ssub.s32 $0x2, s12;
	s8 =	sshll.u32 s8, $0x7;
	[sflag:s9] =	ssyncset.done $0x0  }
0x1f: {  	s11 =	sadd.s32 s14, s8;
	s8 =	simm.s32 $0x2;
	[sflag:s9] =	ssyncadd.s32 $0xFFFF4000  }
0x20: {  	[hbm4b:s11+s3] =	stream.linear.scatter [tilespmem:s6], [sflag:$0x2], $0xC000, $0x38;
	[tilespmem:$0x18080] =	vst v63  }
0x21: {  	s17 =	sshrl.u32 s16, $0x1;
	_ =	swait.ge [sflag:s8], $0xC000  }
0x22: {  	s13 =	simm.s32 $0x60;
	s16 =	ssub.s32 s16, s17;
	[sflag:s8] =	ssyncset.done $0x0  }
0x23: {  	s12 =	simm.s32 $0x20;
	s16 =	smax.u32 s16, $0x1;
	[sflag:s8] =	ssyncadd.s32 $0xFFFF4000  }
0x24: {  	[tilespmem:s6], [sflag:$0x1] =	stream.indirect.gather [hbm4b:s2+s12], $0x400, s13, s12, $0xb8;
	[tilespmem:$0x18080] =	vst v63  }
0x25: {  	s15 =	sshll.u32 s15, $0xE;
	p0 =	sne.s32 s16, $0x1;
	_ =	swait.ge [sflag:s9], $0xC000  }
.Ltmp0:
0x26: {  	s15 =	sadd.s32 s15, s14;
	[sflag:s9] =	ssyncset.done $0x0;
	(pc) =	sbr.rel @!p0 .LBB2_2-.Ltmp0, $4  }
0x27: {  	s14 =	sadd.s32 $0x181800, s15;
	[sflag:s9] =	ssyncadd.s32 $0xFFFF4000  }
0x28: {  	[hbm4b:s14+s3] =	stream.linear.scatter [tilespmem:s10], [sflag:$0x2], $0xC000, $0x38;
	[tilespmem:$0x18080] =	vst v63  }
0x29: {  	_ =	swait.ge [sflag:s9], $0x8000  }
0x2a: {  	s15 =	sadd.s32 $0x183000, s15;
	s16 =	sadd.s32 $0xFFFFFFFF, s16;
	[sflag:s9] =	ssyncset.done $0x0  }
.LBB2_1:
0x2b: {  	p0 =	sne.s32 s16, $0x1;
	s16 =	sadd.s32 $0xFFFFFFFF, s16;
	[sflag:s9] =	ssyncadd.s32 $0xFFFF8000  }
0x2c: {  	[hbm4b:s15+s3] =	stream.linear.scatter [tilespmem:s6], [sflag:$0x2], $0x8000, $0x38;
	[tilespmem:$0x18080] =	vst v63  }
0x2d: {  	_ =	swait.ge [sflag:s8], $0xC000  }
0x2e: {  	[sflag:s8] =	ssyncset.done $0x0  }
0x2f: {  	[sflag:s8] =	ssyncadd.s32 $0xFFFF4000  }
0x30: {  	_ =	swait.ge [sflag:s8], $0x8000  }
0x31: {  	[sflag:s8] =	ssyncset.done $0x0  }
0x32: {  	[sflag:s8] =	ssyncadd.s32 $0xFFFF8000  }
0x33: {  	[tilespmem:s3], [sflag:$0x3] =	stream.linear.gather [hbm4b:s4+s3], $0x80, $0x38;
	[tilespmem:$0x18080] =	vst v63  }
0x34: {  	_ =	swait.ge [sflag:s5], $0x80  }
0x35: {  	[sflag:s5] =	ssyncset.done $0x0  }
0x36: {  	[sflag:s5] =	ssyncadd.s32 $0xFFFFFF80  }
0x37: {  	v1 =	vld [tilespmem:$0x70]  }
0x38: {  	v2 =	vld [tilespmem:$0x60]  }
0x39: {  	v3 =	vld [tilespmem:$0x50]  }
0x3a: {  	v4 =	vld [tilespmem:$0x30]  }
0x3b: {  	v5 =	vld [tilespmem:$0x20]  }
0x3c: {  	v6 =	vld [tilespmem:$0x10];
	v1 =	vadd.s32 v0, v1  }
0x3d: {  	v7 =	vld [tilespmem:$0x40];
	v2 =	vadd.s32 v0, v2;
	[tilespmem:$0x70] =	vst v1  }
0x3e: {  	v1 =	vld [tilespmem:$0x0];
	v3 =	vadd.s32 v0, v3;
	[tilespmem:$0x60] =	vst v2  }
0x3f: {  	v2 =	vadd.s32 v0, v4;
	[tilespmem:$0x50] =	vst v3  }
0x40: {  	v3 =	vadd.s32 v0, v5;
	[tilespmem:$0x30] =	vst v2  }
0x41: {  	v2 =	vadd.s32 v0, v6;
	[tilespmem:$0x20] =	vst v3  }
0x42: {  	[tilespmem:$0x10] =	vst v2;
	v2 =	vadd.s32 v0, v7  }
0x43: {  	v1 =	vadd.s32 v0, v1;
	[tilespmem:$0x40] =	vst v2  }
0x44: {  	[tilespmem:$0x0] =	vst v1  }
0x45: {  	[tilespmem:s6], [sflag:$0x1] =	stream.indirect.gather [hbm4b:s2+s7], $0x400, s3, s7, $0xb8;
	[tilespmem:$0x18080] =	vst v63  }
0x46: {  	_ = 	snop  }
0x47: {  	[tilespmem:s10], [sflag:$0x1] =	stream.indirect.gather [hbm4b:s2+s7], $0x400, s7, s7, $0xb8;
	[tilespmem:$0x18080] =	vst v63  }
0x48: {  	_ =	swait.ge [sflag:s9], $0xC000  }
0x49: {  	[sflag:s9] =	ssyncset.done $0x0  }
0x4a: {  	[sflag:s9] =	ssyncadd.s32 $0xFFFF4000  }
0x4b: {  	[hbm4b:s11+s3] =	stream.linear.scatter [tilespmem:s6], [sflag:$0x2], $0xC000, $0x38;
	[tilespmem:$0x18080] =	vst v63  }
0x4c: {  	_ =	swait.ge [sflag:s8], $0xC000  }
0x4d: {  	[sflag:s8] =	ssyncset.done $0x0  }
0x4e: {  	[sflag:s8] =	ssyncadd.s32 $0xFFFF4000  }
0x4f: {  	[tilespmem:s6], [sflag:$0x1] =	stream.indirect.gather [hbm4b:s2+s12], $0x400, s13, s12, $0xb8;
	[tilespmem:$0x18080] =	vst v63  }
0x50: {  	_ =	swait.ge [sflag:s9], $0xC000  }
.Ltmp1:
0x51: {  	[sflag:s9] =	ssyncset.done $0x0;
	(pc) =	sbr.rel @p0 .LBB2_1-.Ltmp1, $4  }
0x52: {  	[sflag:s9] =	ssyncadd.s32 $0xFFFF4000  }
0x53: {  	[hbm4b:s14+s3] =	stream.linear.scatter [tilespmem:s10], [sflag:$0x2], $0xC000, $0x38;
	[tilespmem:$0x18080] =	vst v63  }
0x54: {  	_ =	swait.ge [sflag:s9], $0x8000  }
0x55: {  	[sflag:s9] =	ssyncset.done $0x0  }
.LBB2_2:
0x56: {  	[sflag:s9] =	ssyncadd.s32 $0xFFFF8000  }
0x57: {  	[hbm4b:s15+s3] =	stream.linear.scatter [tilespmem:s6], [sflag:$0x2], $0x8000, $0x38;
	[tilespmem:$0x18080] =	vst v63  }
0x58: {  	_ =	swait.ge [sflag:s8], $0xC000  }
0x59: {  	[sflag:s8] =	ssyncset.done $0x0  }
0x5a: {  	[sflag:s8] =	ssyncadd.s32 $0xFFFF4000  }
0x5b: {  	_ =	swait.ge [sflag:s8], $0x8000  }
0x5c: {  	[sflag:s8] =	ssyncset.done $0x0  }
0x5d: {  	[sflag:s8] =	ssyncadd.s32 $0xFFFF8000  }
0x5e: {  	_ =	sfence.sel $0x180000  }
0x5f: {  	[bflag:$0x0] =	sbarrier.arrive $0xFFFF  }
0x60: {  	p0 =	sne.s32 s0, $0x0;
	_ =	strace $0x90000047  }
0x61: {  	s0 =	sadd.s32 @!p0 $0x100000, s1;
	[bflag:$0x2] =	sbarrier.arrive $0xFFFF  }
0x62: {  	[sflag:s0] =	ssyncadd.tile.s32 @!p0 $0x1;
	_ =	shalt  }
.Lfunc_end2:
_tile_overlayer_lowered:
.L_overlay_start_2:
0x63: {  	(tag) =	ssettag $0x2  }
0x64: {  	s0 =	rddreg [dreg:$0x0];
	s2 =	stileid.u32  }
0x65: {  	s1 =	rddreg [dreg:$0x1];
	p0 =	sne.s32 s2, $0x0  }
0x66: {  	s3 =	rddreg [dreg:$0x2];
	[bflag:$0x3] =	sbarrier.arrive $0xFFFF;
	s2 =	simm.s32 @!p0 $0x1C03  }
0x67: {  	[timem:s3], [sflag:s2] =	dma.local @!p0 [hbm:s0], s1  }
0x68: {  	s0 =	simm.s32 @!p0 $0x3  }
0x69: {  	_ =	swait.ge @!p0 [sflag:s0], s1  }
0x6a: {  	s1 =	ssub.s32 @!p0 $0x0, s1;
	[sflag:s0] =	ssyncset.done @!p0 $0x0  }
0x6b: {  	[sflag:s0] =	ssyncadd.s32 @!p0 s1  }
0x6c: {  	[bflag:$0x3] =	sbarrier.arrive $0xFFFF  }
0x6d: {  	_ =	shalt  }

</sc_bundles>
